<compile_context>
chip_gen: v7x
topology: tpu7x:2x2x1
jax: 0.10.2.dev20260603
libtpu: 0.0.44.dev20260713+nightly
codegen_flags: <defaults>
</compile_context>

<pallas_src>
import functools

import jax
import jax.numpy as jnp
from jax import lax
from jax.experimental import pallas as pl
from jax.experimental.pallas import tpu as pltpu
from jax.experimental.pallas import tpu_sc as plsc

N = 10000
E = 160000
D = 128
NTILE = 16
RPT = 632
NP = NTILE * RPT
CHUNK = 64
K = 160
KH = 40
NBUF = 4
EP = NTILE * K * CHUNK
ROWB = 2000


def _cnt_body(dst_st, z128, ones_in, out_c, idx_d, ones_v, cacc, sem):
    c = lax.axis_index("c")
    s = lax.axis_index("s")
    r0 = s * RPT
    pltpu.sync_copy(z128.at[pl.ds(r0, RPT)], cacc.at[pl.ds(r0, RPT)])
    pltpu.sync_copy(dst_st.at[c, s], idx_d)
    pltpu.sync_copy(ones_in, ones_v)
    plsc.subcore_barrier()

    def step(j, carry):
        pltpu.async_copy(ones_v, cacc.at[idx_d.at[j]], sem, add=True)
        return carry

    lax.fori_loop(0, K, step, 0)

    def drain(j, carry):
        pltpu.make_async_copy(ones_v, cacc.at[pl.ds(0, CHUNK)], sem).wait()
        return carry

    lax.fori_loop(0, K, drain, 0)
    plsc.subcore_barrier()
    pltpu.sync_copy(cacc.at[pl.ds(r0, RPT)], out_c.at[c, pl.ds(r0, RPT)])


def _seg_body(table, src_st, dst_st, z128,
              out_s, idx_s, idx_d, rows0, rows1, rows2, rows3, acc,
              sem0, sem1, sem2, sem3):
    c = lax.axis_index("c")
    s = lax.axis_index("s")
    r0 = s * RPT
    pltpu.sync_copy(z128.at[pl.ds(r0, RPT)], acc.at[pl.ds(r0, RPT)])
    plsc.subcore_barrier()

    rows = (rows0, rows1, rows2, rows3)
    sems = (sem0, sem1, sem2, sem3)
    for p in range(K // KH):
        pltpu.sync_copy(src_st.at[c, s, pl.ds(p * KH, KH)], idx_s)
        pltpu.sync_copy(dst_st.at[c, s, pl.ds(p * KH, KH)], idx_d)
        for b in range(NBUF):
            pltpu.async_copy(table.at[idx_s.at[b]], rows[b], sems[b])

        @pl.loop(0, KH, step=NBUF)
        def _(j0):
            for b in range(NBUF):
                pltpu.make_async_copy(table.at[pl.ds(0, CHUNK)],
                                      rows[b], sems[b]).wait()
                pltpu.sync_copy(rows[b], acc.at[idx_d.at[j0 + b]], add=True)

                @pl.when(j0 + b + NBUF < KH)
                def _():
                    pltpu.async_copy(table.at[idx_s.at[j0 + b + NBUF]],
                                     rows[b], sems[b])

    plsc.subcore_barrier()
    pltpu.sync_copy(acc.at[pl.ds(r0, RPT)], out_s.at[c, pl.ds(r0, RPT)])


def _sc_mesh():
    return plsc.VectorSubcoreMesh(core_axis_name="c", subcore_axis_name="s")


@jax.jit
def _counts(dst_st, z128, ones_in):
    f32 = jnp.float32
    return pl.kernel(
        _cnt_body,
        out_type=jax.ShapeDtypeStruct((2, NP, D), f32),
        mesh=_sc_mesh(),
        scratch_types=[
            pltpu.VMEM((K, CHUNK), jnp.int32),
            pltpu.VMEM((CHUNK, D), f32),
            pltpu.VMEM_SHARED((NP, D), f32),
            pltpu.SemaphoreType.DMA,
        ],
    )(dst_st, z128, ones_in)


@jax.jit
def _segsum(table, src_st, dst_st, z128):
    f32 = jnp.float32
    return pl.kernel(
        _seg_body,
        out_type=jax.ShapeDtypeStruct((2, NP, D), f32),
        mesh=_sc_mesh(),
        scratch_types=[
            pltpu.VMEM((KH, CHUNK), jnp.int32),
            pltpu.VMEM((KH, CHUNK), jnp.int32),
            pltpu.VMEM((CHUNK, D), f32),
            pltpu.VMEM((CHUNK, D), f32),
            pltpu.VMEM((CHUNK, D), f32),
            pltpu.VMEM((CHUNK, D), f32),
            pltpu.VMEM_SHARED((NP, D), f32),
            pltpu.SemaphoreType.DMA,
            pltpu.SemaphoreType.DMA,
            pltpu.SemaphoreType.DMA,
            pltpu.SemaphoreType.DMA,
        ],
    )(table, src_st, dst_st, z128)



def _mlp_body(x_ref, w_ref, b_ref, o_ref):
    o_ref[...] = jnp.dot(x_ref[...], w_ref[...],
                         preferred_element_type=jnp.float32) + b_ref[...]


def _mlp(x, w, b):
    n, d_in = x.shape
    d_out = w.shape[1]
    return pl.pallas_call(
        _mlp_body,
        grid=(n // ROWB,),
        in_specs=[
            pl.BlockSpec((ROWB, d_in), lambda i: (i, 0)),
            pl.BlockSpec((d_in, d_out), lambda i: (0, 0)),
            pl.BlockSpec((1, d_out), lambda i: (0, 0)),
        ],
        out_specs=pl.BlockSpec((ROWB, d_out), lambda i: (i, 0)),
        out_shape=jax.ShapeDtypeStruct((n, d_out), jnp.float32),
    )(x, w, b)


def _sage_post_body(s_ref, c_ref, x_ref, wl_ref, bl_ref, wr_ref, o_ref):
    inv = 1.0 / jnp.maximum(c_ref[...][:, 0:1], 1.0)
    mean = s_ref[...] * inv
    t = (jnp.dot(mean, wl_ref[...], preferred_element_type=jnp.float32)
         + bl_ref[...]
         + jnp.dot(x_ref[...], wr_ref[...], preferred_element_type=jnp.float32))
    nrm = jnp.sqrt(jnp.sum(t * t, axis=1, keepdims=True))
    t = t / jnp.maximum(nrm, 1e-12)
    o_ref[...] = jnp.maximum(t, 0.0)


def _sage_post(s, cnt, x, wl, bl, wr):
    n, d_in = s.shape
    d_out = wl.shape[1]
    d_x = x.shape[1]
    return pl.pallas_call(
        _sage_post_body,
        grid=(n // ROWB,),
        in_specs=[
            pl.BlockSpec((ROWB, d_in), lambda i: (i, 0)),
            pl.BlockSpec((ROWB, 16), lambda i: (i, 0)),
            pl.BlockSpec((ROWB, d_x), lambda i: (i, 0)),
            pl.BlockSpec((d_in, d_out), lambda i: (0, 0)),
            pl.BlockSpec((1, d_out), lambda i: (0, 0)),
            pl.BlockSpec((d_x, d_out), lambda i: (0, 0)),
        ],
        out_specs=pl.BlockSpec((ROWB, d_out), lambda i: (i, 0)),
        out_shape=jax.ShapeDtypeStruct((n, d_out), jnp.float32),
    )(s, cnt, x, wl, bl, wr)


def _final_body(slo_ref, shi_ref, c_ref, x_ref, wlo_ref, whi_ref, bl_ref,
                wr_ref, lw_ref, lb_ref, o_ref):
    inv = 1.0 / jnp.maximum(c_ref[...][:, 0:1], 1.0)
    t = (jnp.dot(slo_ref[...] * inv, wlo_ref[...],
                 preferred_element_type=jnp.float32)
         + jnp.dot(shi_ref[...] * inv, whi_ref[...],
                   preferred_element_type=jnp.float32)
         + bl_ref[...]
         + jnp.dot(x_ref[...], wr_ref[...], preferred_element_type=jnp.float32))
    nrm = jnp.sqrt(jnp.sum(t * t, axis=1, keepdims=True))
    t = t / jnp.maximum(nrm, 1e-12)
    t = jnp.maximum(t, 0.0)
    o_ref[...] = jnp.dot(t, lw_ref[...],
                         preferred_element_type=jnp.float32) + lb_ref[...]


def _final(s_lo, s_hi, cnt, x, wl_lo, wl_hi, bl, wr, lw, lb):
    n = s_lo.shape[0]
    dh = wr.shape[1]
    do = lw.shape[1]
    return pl.pallas_call(
        _final_body,
        grid=(n // ROWB,),
        in_specs=[
            pl.BlockSpec((ROWB, D), lambda i: (i, 0)),
            pl.BlockSpec((ROWB, D), lambda i: (i, 0)),
            pl.BlockSpec((ROWB, 16), lambda i: (i, 0)),
            pl.BlockSpec((ROWB, dh), lambda i: (i, 0)),
            pl.BlockSpec((D, dh), lambda i: (0, 0)),
            pl.BlockSpec((D, dh), lambda i: (0, 0)),
            pl.BlockSpec((1, dh), lambda i: (0, 0)),
            pl.BlockSpec((dh, dh), lambda i: (0, 0)),
            pl.BlockSpec((dh, do), lambda i: (0, 0)),
            pl.BlockSpec((1, do), lambda i: (0, 0)),
        ],
        out_specs=pl.BlockSpec((ROWB, do), lambda i: (i, 0)),
        out_shape=jax.ShapeDtypeStruct((n, do), jnp.float32),
    )(s_lo, s_hi, cnt, x, wl_lo, wl_hi, bl, wr, lw, lb)


def _pad_edges(src, dst):
    pad = EP - E
    src_p = jnp.concatenate([src, jnp.zeros((pad,), jnp.int32)])
    dst_p = jnp.concatenate([dst, jnp.full((pad,), N, jnp.int32)])
    return src_p, dst_p


def kernel(x_user, x_item, edge_index_u2i, edge_index_i2u,
           mlp_user_W, mlp_user_b, mlp_item_W, mlp_item_b,
           l0_u2i_Wl, l0_u2i_bl, l0_u2i_Wr,
           l0_i2u_Wl, l0_i2u_bl, l0_i2u_Wr,
           l1_u2i_Wl, l1_u2i_bl, l1_u2i_Wr,
           l1_i2u_Wl, l1_i2u_bl, l1_i2u_Wr,
           lin_W, lin_b):
    f32 = jnp.float32
    ei_u2i = edge_index_u2i.astype(jnp.int32)
    ei_i2u = edge_index_i2u.astype(jnp.int32)
    su, du = _pad_edges(ei_u2i[0], ei_u2i[1])
    si, di = _pad_edges(ei_i2u[0], ei_i2u[1])

    z128 = jnp.zeros((NP, D), f32)
    ones128 = jnp.ones((CHUNK, D), f32)

    hu = _mlp(x_user, mlp_user_W, mlp_user_b.reshape(1, -1))
    hi = _mlp(x_item, mlp_item_W, mlp_item_b.reshape(1, -1))

    dst_st0 = jnp.stack([du, di]).reshape(2, NTILE, K, CHUNK)
    out_c0 = _counts(dst_st0, z128, ones128)
    cnt_i, cnt_u = out_c0[0, :N, :16], out_c0[1, :N, :16]

    table0 = jnp.concatenate([hu, hi], axis=0)
    src_st0 = jnp.stack([su, si + N]).reshape(2, NTILE, K, CHUNK)
    out_s0 = _segsum(table0, src_st0, dst_st0, z128)
    s_i, s_u = out_s0[0, :N], out_s0[1, :N]

    hi1 = _sage_post(s_i, cnt_i, hi, l0_u2i_Wl, l0_u2i_bl.reshape(1, -1),
                     l0_u2i_Wr)
    hu1 = _sage_post(s_u, cnt_u, hu, l0_i2u_Wl, l0_i2u_bl.reshape(1, -1),
                     l0_i2u_Wr)

    table1 = jnp.concatenate([hi1[:, :D], hi1[:, D:]], axis=0)
    src_st1 = jnp.stack([si, si + N]).reshape(2, NTILE, K, CHUNK)
    dst_st1 = jnp.stack([di, di]).reshape(2, NTILE, K, CHUNK)
    out_s1 = _segsum(table1, src_st1, dst_st1, z128)
    s_lo, s_hi = out_s1[0, :N], out_s1[1, :N]

    return _final(s_lo, s_hi, cnt_u, hu1,
                  l1_i2u_Wl[:D], l1_i2u_Wl[D:], l1_i2u_bl.reshape(1, -1),
                  l1_i2u_Wr, lin_W, lin_b.reshape(1, -1))

# --- scband reference (transcript-rebuilt; emitter-appended) ---
"""Pipeline reference for scband-hetero-sage-13365938225233 (READ-ONLY COPY).

The authoritative reference and input builder live on the scoring server;
editing this copy changes nothing except your own understanding.
"""

import jax, jax.numpy as jnp
import numpy as np

N_USER = 10000
N_ITEM = 10000
E = 160000
D_IN = 256
D_MLP = 128
D_HID = 256
D_OUT = 128


def setup_inputs(seed: int = 0) -> dict:
    key = jax.random.key(seed)
    ks = jax.random.split(key, 26)
    def w(i, shape, scale=0.05):
        return jax.random.normal(ks[i], shape, dtype=jnp.float32) * scale
    inp = {}
    inp['x_user'] = jax.random.normal(ks[0], (N_USER, D_IN), dtype=jnp.float32)
    inp['x_item'] = jax.random.normal(ks[1], (N_ITEM, D_IN), dtype=jnp.float32)
    inp['edge_index_u2i'] = jax.random.randint(ks[2], (2, E), 0, N_USER, dtype=jnp.int64)
    inp['edge_index_i2u'] = jax.random.randint(ks[3], (2, E), 0, N_ITEM, dtype=jnp.int64)
    # per-node-type input MLPs (hardcoded to 128 out in the torch module)
    inp['mlp_user_W'] = w(4, (D_IN, D_MLP))
    inp['mlp_user_b'] = w(5, (D_MLP,))
    inp['mlp_item_W'] = w(6, (D_IN, D_MLP))
    inp['mlp_item_b'] = w(7, (D_MLP,))
    # layer 0 SAGEConv params (input dim = 128 after mlp)
    inp['l0_u2i_Wl'] = w(8, (D_MLP, D_HID))
    inp['l0_u2i_bl'] = w(9, (D_HID,))
    inp['l0_u2i_Wr'] = w(10, (D_MLP, D_HID))
    inp['l0_i2u_Wl'] = w(11, (D_MLP, D_HID))
    inp['l0_i2u_bl'] = w(12, (D_HID,))
    inp['l0_i2u_Wr'] = w(13, (D_MLP, D_HID))
    # layer 1 SAGEConv params (input dim = hidden = 256)
    inp['l1_u2i_Wl'] = w(14, (D_HID, D_HID))
    inp['l1_u2i_bl'] = w(15, (D_HID,))
    inp['l1_u2i_Wr'] = w(16, (D_HID, D_HID))
    inp['l1_i2u_Wl'] = w(17, (D_HID, D_HID))
    inp['l1_i2u_bl'] = w(18, (D_HID,))
    inp['l1_i2u_Wr'] = w(19, (D_HID, D_HID))
    # final linear on target node type ('user')
    inp['lin_W'] = w(20, (D_HID, D_OUT))
    inp['lin_b'] = w(21, (D_OUT,))
    return inp


def _sage(x_src, x_dst, ei, Wl, bl, Wr):
    # PyG SAGEConv with mean aggregation, root weight, normalize=True
    src = ei[0]
    dst = ei[1]
    msg = x_src[src]
    s = jax.ops.segment_sum(msg, dst, num_segments=x_dst.shape[0])
    cnt = jax.ops.segment_sum(jnp.ones((ei.shape[1],), jnp.float32), dst, num_segments=x_dst.shape[0])
    mean = s / jnp.maximum(cnt, 1.0)[:, None]
    out = mean @ Wl + bl + x_dst @ Wr
    norm = jnp.linalg.norm(out, axis=-1, keepdims=True)
    return out / jnp.maximum(norm, 1e-12)


def reference(x_user, x_item, edge_index_u2i, edge_index_i2u,
              mlp_user_W, mlp_user_b, mlp_item_W, mlp_item_b,
              l0_u2i_Wl, l0_u2i_bl, l0_u2i_Wr,
              l0_i2u_Wl, l0_i2u_bl, l0_i2u_Wr,
              l1_u2i_Wl, l1_u2i_bl, l1_u2i_Wr,
              l1_i2u_Wl, l1_i2u_bl, l1_i2u_Wr,
              lin_W, lin_b):
    hu = x_user @ mlp_user_W + mlp_user_b
    hi = x_item @ mlp_item_W + mlp_item_b
    # layer 0 (HeteroConv: each dst node type receives from one edge type here)
    hi1 = jax.nn.relu(_sage(hu, hi, edge_index_u2i, l0_u2i_Wl, l0_u2i_bl, l0_u2i_Wr))
    hu1 = jax.nn.relu(_sage(hi, hu, edge_index_i2u, l0_i2u_Wl, l0_i2u_bl, l0_i2u_Wr))
    # layer 1
    hi2 = jax.nn.relu(_sage(hu1, hi1, edge_index_u2i, l1_u2i_Wl, l1_u2i_bl, l1_u2i_Wr))
    hu2 = jax.nn.relu(_sage(hi1, hu1, edge_index_i2u, l1_i2u_Wl, l1_i2u_bl, l1_i2u_Wr))
    out = hu2 @ lin_W + lin_b
    return out

if __name__ == "__main__":
    import jax
    _d = setup_inputs()
    print(jax.jit(kernel)(*tuple(_d.values())))

</pallas_src>

<mosaic_0001>
#map = affine_map<(d0, d1) -> (0, 0, 0, 0)>
#map1 = affine_map<(d0, d1) -> (0, 0)>
#map2 = affine_map<(d0, d1) -> (0, 0, 0)>
module attributes {stable_mosaic.version = 14 : i64} {
  func.func @_cnt_body(%arg0: i32, %arg1: i32, %arg2: memref<2x16x160x64xi32, #tpu.memory_space<hbm>>, %arg3: memref<10112x128xf32, #tpu.memory_space<hbm>>, %arg4: memref<64x128xf32, #tpu.memory_space<hbm>>, %arg5: memref<2x10112x128xf32, #tpu.memory_space<hbm>>, %arg6: memref<160x64xi32, #tpu.memory_space<vmem>>, %arg7: memref<64x128xf32, #tpu.memory_space<vmem>>, %arg8: memref<10112x128xf32, #tpu.memory_space<vmem_shared>>, %arg9: memref<!tpu.dma_semaphore, #tpu.memory_space<semaphore_mem>>) attributes {dimension_semantics = [#tpu.dimension_semantics<core_parallel>, #tpu.dimension_semantics<subcore_parallel>], iteration_bounds = array<i64: 2, 16>, scalar_prefetch = 0 : i64, scratch_operands = 4 : i64, tpu.core_type = #tpu.core_type<sc_vector_subcore>, window_params = [{transform_indices = #map}, {transform_indices = #map1}, {transform_indices = #map1}, {transform_indices = #map2}]} {
    %mul3A = arith.constant 632 : i32
    %mul3A_0 = arith.muli %arg1, %mul3A : i32
    "tpu.region"() ({
      %run_scoped3A = tpu.sem_alloc : memref<!tpu.dma_semaphore, #tpu.memory_space<semaphore_mem>>
      %dma_start3A = arith.constant 0 : i32
      %dma_start3A_13 = tpu.memref_slice %arg8[%mul3A_0, %dma_start3A] : memref<10112x128xf32, #tpu.memory_space<vmem_shared>> -> memref<632x128xf32, #tpu.memory_space<vmem_shared>>
      %dma_start3A_14 = arith.constant 0 : i32
      %dma_start3A_15 = tpu.memref_slice %arg3[%mul3A_0, %dma_start3A_14] : memref<10112x128xf32, #tpu.memory_space<hbm>> -> memref<632x128xf32, #tpu.memory_space<hbm>>
      tpu.enqueue_dma source(%dma_start3A_15 : memref<632x128xf32, #tpu.memory_space<hbm>>) target(%dma_start3A_13 : memref<632x128xf32, #tpu.memory_space<vmem_shared>>) target_semaphore(%run_scoped3A : memref<!tpu.dma_semaphore, #tpu.memory_space<semaphore_mem>>)
      %dma_wait3A = arith.constant 0 : i32
      %dma_wait3A_16 = tpu.memref_slice %arg8[%mul3A_0, %dma_wait3A] : memref<10112x128xf32, #tpu.memory_space<vmem_shared>> -> memref<632x128xf32, #tpu.memory_space<vmem_shared>>
      %dma_wait3A_17 = arith.constant 0 : i32
      %dma_wait3A_18 = tpu.memref_slice %arg3[%mul3A_0, %dma_wait3A_17] : memref<10112x128xf32, #tpu.memory_space<hbm>> -> memref<632x128xf32, #tpu.memory_space<hbm>>
      tpu.wait_dma2 semaphore(%run_scoped3A : memref<!tpu.dma_semaphore, #tpu.memory_space<semaphore_mem>>) src(%dma_wait3A_18 : memref<632x128xf32, #tpu.memory_space<hbm>>) dst(%dma_wait3A_16 : memref<632x128xf32, #tpu.memory_space<vmem_shared>>)
      tpu.yield
    }) : () -> ()
    "tpu.region"() ({
      %run_scoped3A = tpu.sem_alloc : memref<!tpu.dma_semaphore, #tpu.memory_space<semaphore_mem>>
      %dma_start3A = arith.constant 0 : i32
      %dma_start3A_13 = arith.constant 0 : i32
      %dma_start3A_14 = tpu.memref_slice %arg2[%arg0, %arg1, %dma_start3A, %dma_start3A_13] : memref<2x16x160x64xi32, #tpu.memory_space<hbm>> -> memref<1x1x160x64xi32, #tpu.memory_space<hbm>>
      %dma_start3A_15 = tpu.memref_squeeze %dma_start3A_14 : memref<1x1x160x64xi32, #tpu.memory_space<hbm>> -> memref<160x64xi32, #tpu.memory_space<hbm>>
      %dma_start3A_16 = arith.constant 0 : i32
      %dma_start3A_17 = arith.constant 0 : i32
      %dma_start3A_18 = tpu.memref_slice %arg2[%arg0, %arg1, %dma_start3A_16, %dma_start3A_17] : memref<2x16x160x64xi32, #tpu.memory_space<hbm>> -> memref<1x1x160x64xi32, #tpu.memory_space<hbm>>
      %dma_start3A_19 = tpu.memref_squeeze %dma_start3A_18 : memref<1x1x160x64xi32, #tpu.memory_space<hbm>> -> memref<160x64xi32, #tpu.memory_space<hbm>>
      tpu.enqueue_dma source(%dma_start3A_19 : memref<160x64xi32, #tpu.memory_space<hbm>>) target(%arg6 : memref<160x64xi32, #tpu.memory_space<vmem>>) target_semaphore(%run_scoped3A : memref<!tpu.dma_semaphore, #tpu.memory_space<semaphore_mem>>)
      %dma_wait3A = arith.constant 0 : i32
      %dma_wait3A_20 = arith.constant 0 : i32
      %dma_wait3A_21 = tpu.memref_slice %arg2[%arg0, %arg1, %dma_wait3A, %dma_wait3A_20] : memref<2x16x160x64xi32, #tpu.memory_space<hbm>> -> memref<1x1x160x64xi32, #tpu.memory_space<hbm>>
      %dma_wait3A_22 = tpu.memref_squeeze %dma_wait3A_21 : memref<1x1x160x64xi32, #tpu.memory_space<hbm>> -> memref<160x64xi32, #tpu.memory_space<hbm>>
      %dma_wait3A_23 = arith.constant 0 : i32
      %dma_wait3A_24 = arith.constant 0 : i32
      %dma_wait3A_25 = tpu.memref_slice %arg2[%arg0, %arg1, %dma_wait3A_23, %dma_wait3A_24] : memref<2x16x160x64xi32, #tpu.memory_space<hbm>> -> memref<1x1x160x64xi32, #tpu.memory_space<hbm>>
      %dma_wait3A_26 = tpu.memref_squeeze %dma_wait3A_25 : memref<1x1x160x64xi32, #tpu.memory_space<hbm>> -> memref<160x64xi32, #tpu.memory_space<hbm>>
      tpu.wait_dma2 semaphore(%run_scoped3A : memref<!tpu.dma_semaphore, #tpu.memory_space<semaphore_mem>>) src(%dma_wait3A_26 : memref<160x64xi32, #tpu.memory_space<hbm>>) dst(%arg6 : memref<160x64xi32, #tpu.memory_space<vmem>>)
      tpu.yield
    }) : () -> ()
    "tpu.region"() ({
      %run_scoped3A = tpu.sem_alloc : memref<!tpu.dma_semaphore, #tpu.memory_space<semaphore_mem>>
      tpu.enqueue_dma source(%arg4 : memref<64x128xf32, #tpu.memory_space<hbm>>) target(%arg7 : memref<64x128xf32, #tpu.memory_space<vmem>>) target_semaphore(%run_scoped3A : memref<!tpu.dma_semaphore, #tpu.memory_space<semaphore_mem>>)
      tpu.wait_dma2 semaphore(%run_scoped3A : memref<!tpu.dma_semaphore, #tpu.memory_space<semaphore_mem>>) src(%arg4 : memref<64x128xf32, #tpu.memory_space<hbm>>) dst(%arg7 : memref<64x128xf32, #tpu.memory_space<vmem>>)
      tpu.yield
    }) : () -> ()
    %barrier3A = arith.constant 0 : index
    tpu.barrier barrier_id(%barrier3A)
    %scan3A = arith.constant 0 : i32
    %scan3A_1 = arith.constant 0 : i32
    %scan3A_2 = arith.constant 160 : i32
    %scan3A_3 = arith.addi %scan3A_1, %scan3A_2 : i32
    %scan3A_4 = arith.constant 1 : i32
    scf.for %scan3A_13 = %scan3A_1 to %scan3A_3 step %scan3A_4  : i32 {
      %dma_start3A = arith.constant 0 : i32
      %dma_start3A_14 = tpu.memref_slice %arg6[%scan3A_13, %dma_start3A] : memref<160x64xi32, #tpu.memory_space<vmem>> -> memref<1x64xi32, #tpu.memory_space<vmem>>
      %dma_start3A_15 = tpu.memref_squeeze %dma_start3A_14 : memref<1x64xi32, #tpu.memory_space<vmem>> -> memref<64xi32, #tpu.memory_space<vmem>>
      %dma_start3A_16 = arith.constant 0 : i32
      %dma_start3A_17 = arith.constant 0 : i32
      %dma_start3A_18 = tpu.memref_slice %arg8[%dma_start3A_16, %dma_start3A_17] : memref<10112x128xf32, #tpu.memory_space<vmem_shared>> -> memref<10112x128xf32, #tpu.memory_space<vmem_shared>>
      tpu.enqueue_indirect_dma source(%arg7 : memref<64x128xf32, #tpu.memory_space<vmem>>) target(%dma_start3A_18 : memref<10112x128xf32, #tpu.memory_space<vmem_shared>>) offsets(%dma_start3A_15 : memref<64xi32, #tpu.memory_space<vmem>>) semaphore(%arg9 : memref<!tpu.dma_semaphore, #tpu.memory_space<semaphore_mem>>) {add = true}
    }
    %scan3A_5 = arith.constant 160 : i32
    %scan3A_6 = arith.constant 0 : i32
    %scan3A_7 = arith.constant 0 : i32
    %scan3A_8 = arith.constant 160 : i32
    %scan3A_9 = arith.addi %scan3A_7, %scan3A_8 : i32
    %scan3A_10 = arith.constant 1 : i32
    scf.for %scan3A_13 = %scan3A_7 to %scan3A_9 step %scan3A_10  : i32 {
      %dma_wait3A = arith.constant 0 : i32
      %dma_wait3A_14 = arith.constant 0 : i32
      %dma_wait3A_15 = tpu.memref_slice %arg8[%dma_wait3A, %dma_wait3A_14] : memref<10112x128xf32, #tpu.memory_space<vmem_shared>> -> memref<64x128xf32, #tpu.memory_space<vmem_shared>>
      %dma_wait3A_16 = arith.constant 0 : i32
      %dma_wait3A_17 = arith.constant 0 : i32
      %dma_wait3A_18 = tpu.memref_slice %arg8[%dma_wait3A_16, %dma_wait3A_17] : memref<10112x128xf32, #tpu.memory_space<vmem_shared>> -> memref<64x128xf32, #tpu.memory_space<vmem_shared>>
      tpu.wait_dma2 semaphore(%arg9 : memref<!tpu.dma_semaphore, #tpu.memory_space<semaphore_mem>>) src(%arg7 : memref<64x128xf32, #tpu.memory_space<vmem>>) dst(%dma_wait3A_18 : memref<64x128xf32, #tpu.memory_space<vmem_shared>>)
    }
    %scan3A_11 = arith.constant 160 : i32
    %barrier3A_12 = arith.constant 0 : index
    tpu.barrier barrier_id(%barrier3A_12)
    "tpu.region"() ({
      %run_scoped3A = tpu.sem_alloc : memref<!tpu.dma_semaphore, #tpu.memory_space<semaphore_mem>>
      %dma_start3A = arith.constant 0 : i32
      %dma_start3A_13 = tpu.memref_slice %arg5[%arg0, %mul3A_0, %dma_start3A] : memref<2x10112x128xf32, #tpu.memory_space<hbm>> -> memref<1x632x128xf32, #tpu.memory_space<hbm>>
      %dma_start3A_14 = tpu.memref_squeeze %dma_start3A_13 : memref<1x632x128xf32, #tpu.memory_space<hbm>> -> memref<632x128xf32, #tpu.memory_space<hbm>>
      %dma_start3A_15 = arith.constant 0 : i32
      %dma_start3A_16 = tpu.memref_slice %arg8[%mul3A_0, %dma_start3A_15] : memref<10112x128xf32, #tpu.memory_space<vmem_shared>> -> memref<632x128xf32, #tpu.memory_space<vmem_shared>>
      tpu.enqueue_dma source(%dma_start3A_16 : memref<632x128xf32, #tpu.memory_space<vmem_shared>>) target(%dma_start3A_14 : memref<632x128xf32, #tpu.memory_space<hbm>>) target_semaphore(%run_scoped3A : memref<!tpu.dma_semaphore, #tpu.memory_space<semaphore_mem>>)
      %dma_wait3A = arith.constant 0 : i32
      %dma_wait3A_17 = tpu.memref_slice %arg5[%arg0, %mul3A_0, %dma_wait3A] : memref<2x10112x128xf32, #tpu.memory_space<hbm>> -> memref<1x632x128xf32, #tpu.memory_space<hbm>>
      %dma_wait3A_18 = tpu.memref_squeeze %dma_wait3A_17 : memref<1x632x128xf32, #tpu.memory_space<hbm>> -> memref<632x128xf32, #tpu.memory_space<hbm>>
      %dma_wait3A_19 = arith.constant 0 : i32
      %dma_wait3A_20 = tpu.memref_slice %arg8[%mul3A_0, %dma_wait3A_19] : memref<10112x128xf32, #tpu.memory_space<vmem_shared>> -> memref<632x128xf32, #tpu.memory_space<vmem_shared>>
      tpu.wait_dma2 semaphore(%run_scoped3A : memref<!tpu.dma_semaphore, #tpu.memory_space<semaphore_mem>>) src(%dma_wait3A_20 : memref<632x128xf32, #tpu.memory_space<vmem_shared>>) dst(%dma_wait3A_18 : memref<632x128xf32, #tpu.memory_space<hbm>>)
      tpu.yield
    }) : () -> ()
    return
  }
}

</mosaic_0001>

<sc_bundles>
// kernel: _counts.3.cloned.1.call-start
scs
__scs_entry_jumppad:
0x0: {  	(pc) =	sbr.rel $0x88, $3  }
0x1: {  	(tag) =	ssettag $0x0;
	lr =	simm.s32 $0x1  }
0x2: {  	[smem:$0x3F9E] =	sst lr;
	_ =	strace $0xD0000000  }
0x3: {  	_ = 	snop  }
0x4: {  	_ = 	snop  }
0x5: {  	_ = 	snop  }
0x6: {  	_ = 	snop  }
0x7: {  	_ = 	snop  }
__scs_overlays_trampoline_lowered:
0x8: {  	[smem:$0x3FAD] =	sst s0  }
0x9: {  	[smem:$0x3FAE] =	sst s1  }
0xa: {  	[smem:$0x3FAF] =	sst s2  }
0xb: {  	[smem:$0x3FB0] =	sst s3  }
0xc: {  	[smem:$0x3FB1] =	sst s4  }
0xd: {  	[smem:$0x3FB2] =	sst s5  }
0xe: {  	[smem:$0x3FB3] =	sst s6  }
0xf: {  	[smem:$0x3FB4] =	sst s7  }
0x10: {  	[smem:$0x3FB5] =	sst s8  }
0x11: {  	[smem:$0x3FB6] =	sst s9;
	s0 =	simm.s32 @!p0 $0x0  }
0x12: {  	s1 =	sld [smem:$0x3F9C];
	s0 =	simm.s32 @p0 $0x1  }
0x13: {  	[smem:$0x3FB7] =	sst s0;
	s0 =	simm.s32 @!p1 $0x0  }
0x14: {  	s2 =	sld [smem:$0x3F9B];
	s0 =	simm.s32 @p1 $0x1  }
0x15: {  	[smem:$0x3FB8] =	sst s0;
	s0 =	simm.s32 @!p2 $0x0  }
0x16: {  	s3 =	sld [smem:$0x3FDB];
	s0 =	simm.s32 @p2 $0x1  }
0x17: {  	s4 =	simm.s32 $0x1BF5;
	[smem:$0x3FBA] =	sst s0  }
0x18: {  	s0 =	sld [smem:$0x3F9D];
	_ =	swait.ge [sflag:s4], $0x0  }
0x19: {  	s7 =	sld [smem:$0x3F9E]  }
0x1a: {  	s8 =	sadd.s32 $0xFFFFE003, lr  }
0x1b: {  	s9 =	sadd.s32 $0xFFFFFEF7, lr;
	s5 =	simm.s32 $0xFFFFFFFF;
	p2 =	slt.u32 s8, $0xFFFFF086  }
0x1c: {  	p1 =	slt.u32 s9, $0xF7A;
	s5 =	simm.s32 @!p2 $0x0  }
0x1d: {  	s5 =	simm.s32 @p1 $0x1;
	p0 =	seq.s32 s7, s2  }
0x1e: {  	s7 =	smul.u32 @!p0 $0xF7A, s2;
	p2 =	seq.s32 @!p0 s5, $0x0  }
0x1f: {  	s9 =	smul.u32 $0xF7A, s1;
	s8 =	simm.s32 @!p0 $0x1BF5;
	p2 =	por !p2, p0  }
0x20: {  	[sflag:s8] =	ssyncset.s32 @!p0 $0xFFFFF086;
	s6 =	sadd.s32 @!p0 s3, s7;
	s7 =	simm.s32 @!p0 $0x108  }
0x21: {  	s3 =	sadd.s32 s3, s9;
	s6 =	sadd.s32 @!p0 $0x88, s6;
	s7 =	simm.s32 @p2 $0x1082  }
0x22: {  	[simem:s7], [sflag:s8] =	dma.local @!p0 [hbm:s6], $0xF7A  }
0x23: {  	s9 =	sor.u32 $0xD0000000, s2;
	s6 =	simm.s32 $0x108;
	_ =	swait.ge @!p0 [sflag:s8], $0x0  }
0x24: {  	s3 =	sadd.s32 $0x88, s3;
	s6 =	simm.s32 @!p1 $0x1082;
	[sflag:s4] =	ssyncset.s32 $0xFFFFF086  }
0x25: {  	[simem:s6], [sflag:s4] =	dma.local [hbm:s3], $0xF7A  }
0x26: {  	[smem:$0x3F9E] =	sst s1;
	(tag) =	ssettag s2;
	_ =	strace s9  }
0x27: {  	s1 =	sld [smem:$0x3FAE]  }
0x28: {  	s2 =	sld [smem:$0x3FAF]  }
0x29: {  	s4 =	sld [smem:$0x3FB1]  }
0x2a: {  	p0 =	seq.s32 s5, $0x0;
	s5 =	sld [smem:$0x3FB2]  }
0x2b: {  	s6 =	sld [smem:$0x3FB3]  }
0x2c: {  	s7 =	sld [smem:$0x3FB4]  }
0x2d: {  	s3 =	simm.s32 $0x108;
	s8 =	sld [smem:$0x3FB5]  }
0x2e: {  	s3 =	simm.s32 @!p0 $0x1082;
	s9 =	sld [smem:$0x3FB6]  }
0x2f: {  	lr =	sadd.s32 s0, s3;
	s0 =	sld [smem:$0x3FAD]  }
0x30: {  	s3 =	sld [smem:$0x3FB0]  }
0x31: {  	[smem:$0x3FB9] =	sst s10  }
0x32: {  	s10 =	sld [smem:$0x3FB7];
	_ =	sdelay $0x3  }
0x33: {  	p0 =	seq.s32 s10, $0x1;
	s10 =	sld [smem:$0x3FB9];
	_ =	sdelay $0x3  }
0x34: {  	[smem:$0x3FB9] =	sst s10  }
0x35: {  	s10 =	sld [smem:$0x3FB8];
	_ =	sdelay $0x3  }
0x36: {  	p1 =	seq.s32 s10, $0x1;
	s10 =	sld [smem:$0x3FB9];
	_ =	sdelay $0x3  }
0x37: {  	[smem:$0x3FB9] =	sst s10  }
0x38: {  	s10 =	sld [smem:$0x3FBA]  }
0x39: {  	_ = 	snop;
	(pc) =	sbr.ind lr, $3  }
0x3a: {  	_ = 	snop  }
0x3b: {  	_ = 	snop  }
0x3c: {  	p2 =	seq.s32 s10, $0x1;
	s10 =	sld [smem:$0x3FB9]  }
0x3d: {  	_ =	shalt  }
0x3e: {  	_ =	shalt  }
0x3f: {  	_ =	shalt  }
0x40: {  	_ =	shalt  }
0x41: {  	_ =	shalt  }
0x42: {  	_ =	shalt  }
0x43: {  	_ =	shalt  }
0x44: {  	_ =	shalt  }
0x45: {  	_ =	shalt  }
0x46: {  	_ =	shalt  }
0x47: {  	_ =	shalt  }
0x48: {  	_ =	shalt  }
0x49: {  	_ =	shalt  }
0x4a: {  	_ =	shalt  }
0x4b: {  	_ =	shalt  }
0x4c: {  	_ =	shalt  }
0x4d: {  	_ =	shalt  }
0x4e: {  	_ =	shalt  }
0x4f: {  	_ =	shalt  }
0x50: {  	_ =	shalt  }
0x51: {  	_ =	shalt  }
0x52: {  	_ =	shalt  }
0x53: {  	_ =	shalt  }
0x54: {  	_ =	shalt  }
0x55: {  	_ =	shalt  }
0x56: {  	_ =	shalt  }
0x57: {  	_ =	shalt  }
0x58: {  	_ =	shalt  }
0x59: {  	_ =	shalt  }
0x5a: {  	_ =	shalt  }
0x5b: {  	_ =	shalt  }
0x5c: {  	_ =	shalt  }
0x5d: {  	_ =	shalt  }
0x5e: {  	_ =	shalt  }
0x5f: {  	_ =	shalt  }
0x60: {  	_ =	shalt  }
0x61: {  	_ =	shalt  }
0x62: {  	_ =	shalt  }
0x63: {  	_ =	shalt  }
0x64: {  	_ =	shalt  }
0x65: {  	_ =	shalt  }
0x66: {  	_ =	shalt  }
0x67: {  	_ =	shalt  }
0x68: {  	_ =	shalt  }
0x69: {  	_ =	shalt  }
0x6a: {  	_ =	shalt  }
0x6b: {  	_ =	shalt  }
0x6c: {  	_ =	shalt  }
0x6d: {  	_ =	shalt  }
0x6e: {  	_ =	shalt  }
0x6f: {  	_ =	shalt  }
0x70: {  	_ =	shalt  }
0x71: {  	_ =	shalt  }
0x72: {  	_ =	shalt  }
0x73: {  	_ =	shalt  }
0x74: {  	_ =	shalt  }
0x75: {  	_ =	shalt  }
0x76: {  	_ =	shalt  }
0x77: {  	_ =	shalt  }
0x78: {  	_ =	shalt  }
0x79: {  	_ =	shalt  }
0x7a: {  	_ =	shalt  }
0x7b: {  	_ =	shalt  }
0x7c: {  	_ =	shalt  }
0x7d: {  	_ =	shalt  }
0x7e: {  	_ =	shalt  }
0x7f: {  	_ =	shalt  }
0x80: {  	_ =	shalt  }
0x81: {  	_ =	shalt  }
0x82: {  	_ =	shalt  }
0x83: {  	_ =	shalt  }
0x84: {  	_ =	shalt  }
0x85: {  	_ =	shalt  }
0x86: {  	_ =	shalt  }
0x87: {  	_ =	shalt  }
.Lfunc_end0:
.L_simem_size_0:
called_computation_lowered:
.L_overlay_start_0:
0x88: {  	s2 =	sld [smem:$0x3FD9]  }
0x89: {  	s3 =	sld [smem:$0x3FFE];
	_ =	sdelay $0x1  }
0x8a: {  	s1 =	srdreg.scid  }
0x8b: {  	s0 =	sand.u32 $0x1, s1  }
0x8c: {  	s17 =	sshll.u32 s0, $0xA;
	s2 =	sadd.s32 s3, s2  }
0x8d: {  	s2 =	sadd.s32 s2, s17  }
0x8e: {  	[smem:$0x3FC5] =	sst s2  }
0x8f: {  	_ = 	snop  }
0x90: {  	s2 =	sld [smem:$0x3FC8]  }
0x91: {  	s18 =	sld [smem:$0x3FC7]  }
0x92: {  	s4 =	sld [smem:$0x3FD0];
	(tm) =	ssettm $0x1  }
0x93: {  	s5 =	sld [smem:$0x3FFB];
	_ =	sdelay $0x3  }
0x94: {  	_ =	strace s5  }
0x95: {  	s5 =	sld [smem:$0x3FFC];
	_ =	sdelay $0x3  }
0x96: {  	_ =	strace s5  }
0x97: {  	s5 =	sld [smem:$0x3FFD];
	_ =	sdelay $0x3  }
0x98: {  	_ =	strace s5  }
0x99: {  	_ =	strace $0x8FFFFFFF  }
0x9a: {  	s19 =	sld [smem:$0x3FDB];
	_ =	sdelay $0x1  }
0x9b: {  	s6 =	simm.s32 $_scs_section_size  }
0x9c: {  	s7 =	simm.s32 $_size__tile_overlayer_lowered;
	s8 =	simm.s32 $_tile_overlayer_lowered  }
0x9d: {  	s22 =	simm.s32 $0x1BFF;
	s21 =	sshll.u32 s8, $0x1;
	s5 =	sadd.s32 s6, s19  }
0x9e: {  	s9 =	simm.s32 $0x0;
	s20 =	sshll.u32 s7, $0x1;
	s7 =	sadd.s32 s21, s5  }
0x9f: {  	[timem:s9], [sflag:s22] =	dma.local [hbm:s7], s20  }
0xa0: {  	_ =	swait.ge [sflag:s22], s20  }
0xa1: {  	s6 =	ssub.s32 $0x0, s20;
	[sflag:s22] =	ssyncset.done $0x0  }
0xa2: {  	[sflag:s22] =	ssyncadd.s32 s6;
	_ =	sdelay $0x1  }
0xa3: {  	s23 =	simm.s32 $0x1B8B  }
0xa4: {  	_ =	swait.ge [sflag:s23], $0x1  }
0xa5: {  	[sflag:s23] =	ssyncset.done $0x0  }
0xa6: {  	s25 =	simm.s32 $0x1B8E;
	s24 =	sld [smem:$0x3FFE];
	[sflag:s23] =	ssyncadd.s32 $0xFFFFFFFF  }
0xa7: {  	s26 =	simm.s32 $execute0_lowered;
	[smem:$0x3FD2] =	sst s25  }
0xa8: {  	s7 =	sshll.u32 s26, $0x1;
	_ =	strace $0x80000046;
	[dreg:$0x1] =	wrdreg $0xFFFFFFFF  }
0xa9: {  	s28 =	simm.s32 $_size_execute0_lowered;
	s5 =	sadd.s32 s5, s7;
	[dreg:$0x0] =	wrdreg $0x0  }
0xaa: {  	s7 =	sshll.u32 s28, $0x1;
	[dreg:$0x2] =	wrdreg s5  }
0xab: {  	[dreg:$0x3] =	wrdreg s7  }
0xac: {  	[dreg:$0x4] =	wrdreg $0xC0  }
0xad: {  	_ =	task [dreg:s9], $0x5FFFF  }
0xae: {  	[dreg:$0x1] =	wrdreg $0xFFFFFFFF  }
0xaf: {  	[dreg:$0x0] =	wrdreg $0x60  }
0xb0: {  	[dreg:$0x2] =	wrdreg s24  }
0xb1: {  	[dreg:$0x3] =	wrdreg s2  }
0xb2: {  	[dreg:$0x4] =	wrdreg s18  }
0xb3: {  	[dreg:$0x5] =	wrdreg s4  }
0xb4: {  	[dreg:$0x6] =	wrdreg $0x70000  }
0xb5: {  	[dreg:$0x7] =	wrdreg $0x9  }
0xb6: {  	_ =	task.clear_ibuf [dreg:s9], $0x8FFFF;
	_ =	strace $0x90000046  }
0xb7: {  	s29 =	simm.s32 $0x9;
	_ =	strace $0x80000048  }
0xb8: {  	_ =	swait.ge [sflag:s29], $0x1  }
0xb9: {  	[sflag:s29] =	ssyncadd.s32 $0xFFFFFFFF  }
0xba: {  	_ =	strace $0x90000048  }
0xbb: {  	_ =	sfence  }
0xbc: {  	s30 =	sld [smem:$0x0];
	_ =	sdelay $0x2  }
0xbd: {  	s31 =	sshll.u32 s1, $0xD;
	s1 =	sshrl.u32 s1, $0x2  }
0xbe: {  	s3 =	sand.u32 $0x4000, s31;
	s1 =	sadd.s32 s1, s30  }
0xbf: {  	s0 =	sor.u32 s3, s0;
	s1 =	sshll.u32 s1, $0x11  }
0xc0: {  	s0 =	sor.u32 s1, s0  }
0xc1: {  	s0 =	sadd.s32 $0x8F2B, s0  }
0xc2: {  	[sflag:s0] =	ssyncadd.remote.s32 $0x1  }
0xc3: {  	_ =	sfence.sel $0xFFFF  }
0xc4: {  	[dreg:$0x0] =	wrdreg $0xFFFFFFFF;
	(pc) =	sbr.abs _section_cstart, $3  }
0xc5: {  	[dreg:$0x1] =	wrdreg $0xFFFFFFFF  }
0xc6: {  	_ =	task.clear_ibuf [dreg:s9], $0x2FFFF;
	_ =	strace $0x9FFFFFFF  }
0xc7: {  	(tm) =	ssettm $0x7FFFFFFF  }
tec
execute0_lowered:
.L_overlay_start_1:
0x0: {  	(tag) =	ssettag $0x1  }
0x1: {  	s5 =	rddreg [dreg:$0x0]  }
0x2: {  	s6 =	rddreg [dreg:$0x1]  }
0x3: {  	s0 =	rddreg [dreg:$0x2]  }
0x4: {  	s8 =	rddreg [dreg:$0x3];
	s1 =	srdreg.scid  }
0x5: {  	s3 =	rddreg [dreg:$0x4];
	s2 =	stileid.u32  }
0x6: {  	s4 =	simm.s32 $0x0;
	s14 =	simm.s32 $0x1;
	s10 =	smul.u32 $0x5000, s2  }
0x7: {  	s7 =	sand.u32 $0x1, s1;
	s1 =	rddreg [dreg:$0x5];
	s29 =	smul.u32 $0x4F000, s2  }
0x8: {  	s15 =	simm.s32 $0x0;
	[smem:$0x7FF] =	sst s4;
	s12 =	smul.u32 $0x13C00, s2  }
0x9: {  	s31 =	sshll.u32 s2, $0x6;
	s9 =	smul.u32 $0x50000, s7;
	s11 =	ssub.s32 $0x2, s7  }
0xa: {  	_ =	strace $0x80000047;
	s7 =	smul.u32 $0x13C000, s7;
	s13 =	sshrl.u32 s11, $0x1  }
0xb: {  	s30 =	sshrl.u32 s12, $0x3;
	s9 =	sadd.s32 s10, s9;
	s10 =	sshrl.u32 s29, $0x2  }
0xc: {  	s11 =	ssub.s32 s11, s13;
	s7 =	sadd.s32 s12, s7;
	s13 =	simm.s32 $0x40  }
0xd: {  	s9 =	sshrl.u32 s9, $0x3;
	s10 =	sadd.s32 s10, s3;
	s12 =	sshrl.u32 s7, $0x3  }
0xe: {  	s9 =	sadd.s32 s9, s5;
	s5 =	sadd.s32 s6, s30;
	s6 =	sor.u32 $0x1C02, s31  }
0xf: {  	s8 =	sadd.s32 s8, s12;
	s10 =	sshrl.u32 s10, $0x3;
	s12 =	simm.s32 $0x5000  }
0x10: {  	s7 =	sadd.s32 $0x400, s9;
	s9 =	smax.u32 s11, $0x1;
	s11 =	simm.s32 $0x2  }
.LBB2_1:
0x11: {  	[spmem:s10], [sflag:s6] =	dma.local [hbm:s5], $0x2780  }
0x12: {  	_ =	swait.ge [sflag:s11], $0x2780  }
0x13: {  	[sflag:s11] =	ssyncset.done $0x0  }
0x14: {  	[sflag:s11] =	ssyncadd.s32 $0xFFFFD880  }
0x15: {  	[tilespmem:s4], [sflag:$0x2] =	stream.linear.gather [hbm4b:s7+s4], $0x5000, $0x38;
	[tilespmem:$0x1AC00] =	vst v63  }
0x16: {  	_ =	swait.ge [sflag:s11], $0x5000  }
0x17: {  	[sflag:s11] =	ssyncset.done $0x0  }
0x18: {  	[sflag:s11] =	ssyncadd.s32 $0xFFFFB000  }
0x19: {  	[tilespmem:s12], [sflag:$0x2] =	stream.linear.gather [hbm4b:s0+s4], $0x2000, $0x38;
	[tilespmem:$0x1AC00] =	vst v63  }
0x1a: {  	_ =	swait.ge [sflag:s11], $0x2000  }
0x1b: {  	[sflag:s11] =	ssyncset.done $0x0  }
0x1c: {  	[sflag:s11] =	ssyncadd.s32 $0xFFFFE000  }
0x1d: {  	s16 =	simm.s32 $0x0;
	[bflag:$0x0] =	sbarrier.arrive $0xFFFF  }
.LBB2_2:
0x1e: {  	p0 =	sne.s32 s16, $0x13E00  }
.Ltmp0:
0x1f: {  	_ = 	snop;
	(pc) =	sbr.rel @p0 .LBB2_2-.Ltmp0, $3  }
0x20: {  	_ =	sdelay $0x1  }
0x21: {  	s17 =	sshra.s32 s16, $0x2;
	s16 =	sadd.s32 $0x200, s16  }
0x22: {  	[spmem:s3] =	stream.indirect.scatter.add.f32 [tilespmem:s12], [sflag:$0x1], $0x80, s17, s13, $0xb8;
	[tilespmem:$0x1AC00] =	vst v63  }
0x23: {  	_ =	swait.ge [sflag:s14], $0x2000  }
0x24: {  	s16 =	simm.s32 $0x9F;
	[sflag:s14] =	ssyncset.done $0x0  }
.LBB2_4:
0x25: {  	p0 =	sne.s32 s16, $0x1;
	s16 =	sadd.s32 $0xFFFFFFFF, s16;
	[sflag:s14] =	ssyncadd.s32 $0xFFFFE000  }
.Ltmp1:
0x26: {  	(pc) =	sbr.rel @p0 .LBB2_4-.Ltmp1, $3  }
0x27: {  	_ =	sdelay $0x1  }
0x28: {  	_ =	swait.ge [sflag:s14], $0x2000  }
0x29: {  	[sflag:s14] =	ssyncset.done $0x0  }
0x2a: {  	s15 =	sadd.s32 $0x1, s15  }
0x2b: {  	[sflag:s14] =	ssyncadd.s32 $0xFFFFE000;
	p0 =	sne.s32 s15, s9  }
.Ltmp2:
0x2c: {  	[bflag:$0x0] =	sbarrier.arrive $0xFFFF;
	(pc) =	sbr.rel @p0 .LBB2_1-.Ltmp2, $4  }
0x2d: {  	[hbm:s8], [sflag:s6] =	dma.local [spmem:s10], $0x2780  }
0x2e: {  	_ =	swait.ge [sflag:s11], $0x2780  }
0x2f: {  	[sflag:s11] =	ssyncset.done $0x0  }
0x30: {  	[sflag:s11] =	ssyncadd.s32 $0xFFFFD880  }
0x31: {  	_ =	sfence.sel $0x180000  }
0x32: {  	[bflag:$0x0] =	sbarrier.arrive $0xFFFF  }
0x33: {  	p0 =	sne.s32 s2, $0x0;
	_ =	strace $0x90000047  }
0x34: {  	s0 =	sadd.s32 @!p0 $0x100000, s1;
	[bflag:$0x2] =	sbarrier.arrive $0xFFFF  }
0x35: {  	[sflag:s0] =	ssyncadd.tile.s32 @!p0 $0x1;
	_ =	shalt  }
.Lfunc_end2:
_tile_overlayer_lowered:
.L_overlay_start_2:
0x36: {  	(tag) =	ssettag $0x2  }
0x37: {  	s0 =	rddreg [dreg:$0x0];
	s2 =	stileid.u32  }
0x38: {  	s1 =	rddreg [dreg:$0x1];
	p0 =	sne.s32 s2, $0x0  }
0x39: {  	s3 =	rddreg [dreg:$0x2];
	[bflag:$0x3] =	sbarrier.arrive $0xFFFF;
	s2 =	simm.s32 @!p0 $0x1C02  }
0x3a: {  	[timem:s3], [sflag:s2] =	dma.local @!p0 [hbm:s0], s1  }
0x3b: {  	s0 =	simm.s32 @!p0 $0x2  }
0x3c: {  	_ =	swait.ge @!p0 [sflag:s0], s1  }
0x3d: {  	s1 =	ssub.s32 @!p0 $0x0, s1;
	[sflag:s0] =	ssyncset.done @!p0 $0x0  }
0x3e: {  	[sflag:s0] =	ssyncadd.s32 @!p0 s1  }
0x3f: {  	[bflag:$0x3] =	sbarrier.arrive $0xFFFF  }
0x40: {  	_ =	shalt  }

</sc_bundles>
